<compile_context>
chip_gen: v7x
topology: tpu7x:2x2x1
jax: 0.10.2.dev20260603
libtpu: 0.0.44.dev20260713+nightly
codegen_flags: <defaults>
</compile_context>

<pallas_src>
import functools

import jax
import jax.numpy as jnp
from jax import lax
from jax.experimental import pallas as pl
from jax.experimental.pallas import tpu as pltpu
from jax.experimental.pallas import tpu_sc as plsc

EMBED_DIM = 64
OUT_DIM = 2
NC = 2
NS = 16
NW = NC * NS
PROJ_BLK = 32768
G = 128


def _project_body(tt_ref, w_ref, b_ref, pk_ref):
    x = tt_ref[...].astype(jnp.bfloat16)
    z = lax.dot_general(w_ref[...], x, (((1,), (0,)), ((), ())),
                        preferred_element_type=jnp.float32)
    t = jnp.tanh(z + b_ref[...]).astype(jnp.bfloat16)
    u = lax.bitcast_convert_type(t, jnp.uint16).astype(jnp.uint32)
    pk_ref[...] = u[0] | (u[1] << 16)


@functools.cache
def _make_project(n_rows: int):
    grid = (n_rows + PROJ_BLK - 1) // PROJ_BLK
    return pl.pallas_call(
        _project_body,
        grid=(grid,),
        in_specs=[
            pl.BlockSpec((EMBED_DIM, PROJ_BLK), lambda i: (0, i)),
            pl.BlockSpec((OUT_DIM, EMBED_DIM), lambda i: (0, 0)),
            pl.BlockSpec((OUT_DIM, 1), lambda i: (0, 0)),
        ],
        out_specs=pl.BlockSpec((PROJ_BLK,), lambda i: (i,)),
        out_shape=jax.ShapeDtypeStruct((n_rows,), jnp.uint32),
    )


@functools.cache
def _make_gather(fields: int, batch: int):
    bw = batch // NW
    qn = bw // G
    ch = fields * qn

    mesh = plsc.VectorSubcoreMesh(core_axis_name="c", subcore_axis_name="s")

    @functools.partial(
        pl.kernel,
        out_type=jax.ShapeDtypeStruct((fields, OUT_DIM, batch), jnp.float32),
        mesh=mesh,
        scratch_types=[
            pltpu.VMEM((fields, bw), jnp.int32),
            pltpu.VMEM((fields, bw), jnp.uint32),
            pltpu.VMEM((fields, OUT_DIM, bw), jnp.float32),
            pltpu.SemaphoreType.DMA,
        ],
        compiler_params=pltpu.CompilerParams(
            use_tc_tiling_on_sc=False, needs_layout_passes=False),
    )
    def gather2(idx_hbm, pk_hbm, out_hbm, idx_v, pk_v, out_v, sem):
        wid = lax.axis_index("s") * NC + lax.axis_index("c")
        base = wid * bw
        pltpu.sync_copy(idx_hbm.at[:, pl.ds(base, bw)], idx_v)

        def fire(j, _):
            f = j // qn
            q = j % qn
            pltpu.async_copy(pk_hbm.at[idx_v.at[f, pl.ds(q * G, G)]],
                             pk_v.at[f, pl.ds(q * G, G)], sem)
            return 0

        lax.fori_loop(0, ch, fire, 0)

        def drain(j, _):
            pltpu.make_async_copy(
                pk_hbm.at[idx_v.at[0, pl.ds(0, G)]],
                pk_v.at[0, pl.ds(0, G)], sem).wait()
            return 0

        lax.fori_loop(0, ch, drain, 0)

        hi_mask = jnp.full((16,), 0xFFFF0000, jnp.uint32)

        def unpack(i, _):
            f = i // (bw // 16)
            s = (i % (bw // 16)) * 16
            v = pk_v[f, pl.ds(s, 16)]
            out_v[f, 0, pl.ds(s, 16)] = plsc.bitcast(v << 16, jnp.float32)
            out_v[f, 1, pl.ds(s, 16)] = plsc.bitcast(v & hi_mask, jnp.float32)
            return 0

        lax.fori_loop(0, fields * (bw // 16), unpack, 0)

        pltpu.sync_copy(out_v, out_hbm.at[:, :, pl.ds(base, bw)])

    return gather2


def kernel(data, table, W, b):
    batch, fields = data.shape
    table_t = table.T
    data_t = data.astype(jnp.int32).T
    pk = _make_project(table.shape[0])(
        table_t, W.astype(jnp.bfloat16), b.reshape(OUT_DIM, 1))
    out3 = _make_gather(fields, batch)(data_t, pk)
    return out3.transpose(2, 0, 1)

# --- scband reference (transcript-rebuilt; emitter-appended) ---
"""Pipeline reference for scband-barlow-18433999634548 (READ-ONLY COPY).

The authoritative reference and input builder live on the scoring server;
editing this copy changes nothing except your own understanding.
"""

import jax, jax.numpy as jnp
import numpy as np

NUM_EMBEDDINGS = 1000000
EMBED_DIM = 64
OUT_DIM = 2
BATCH = 16384
FIELDS = 26

def setup_inputs(seed: int = 0) -> dict:
    key = jax.random.key(seed)
    k1, k2, k3, k4 = jax.random.split(key, 4)
    data = jax.random.randint(k1, (BATCH, FIELDS), 0, NUM_EMBEDDINGS, dtype=jnp.int64 if jax.config.jax_enable_x64 else jnp.int32)
    table = jax.random.normal(k2, (NUM_EMBEDDINGS, EMBED_DIM), dtype=jnp.float32) * 0.02
    # nn.Linear(64, 2): weight [out, in], bias [out]
    bound = 1.0 / np.sqrt(EMBED_DIM)
    W = jax.random.uniform(k3, (OUT_DIM, EMBED_DIM), minval=-bound, maxval=bound, dtype=jnp.float32)
    b = jax.random.uniform(k4, (OUT_DIM,), minval=-bound, maxval=bound, dtype=jnp.float32)
    return {"data": data, "table": table, "W": W, "b": b}

def reference(data, table, W, b):
    # embeddings = self.embed(data) -> gather rows from table
    embeddings = jnp.take(table, data, axis=0)          # [B, F, D]
    # fc1: Linear(embed_dimension, output_dimension)
    logits = jnp.einsum('bfd,od->bfo', embeddings, W) + b  # [B, F, 2]
    # tanh activation
    return jnp.tanh(logits)

if __name__ == "__main__":
    import jax
    _d = setup_inputs()
    print(jax.jit(kernel)(*tuple(_d.values())))

</pallas_src>

<mosaic_0001>
#map = affine_map<(d0, d1) -> (0, 0)>
#map1 = affine_map<(d0, d1) -> (0)>
#map2 = affine_map<(d0, d1) -> (0, 0, 0)>
module attributes {stable_mosaic.version = 14 : i64} {
  func.func @gather2(%arg0: i32, %arg1: i32, %arg2: memref<26x16384xi32, #tpu.memory_space<hbm>>, %arg3: memref<1000000xi32, #tpu.memory_space<hbm>>, %arg4: memref<26x2x16384xf32, #tpu.memory_space<hbm>>, %arg5: memref<26x512xi32, #tpu.memory_space<vmem>>, %arg6: memref<26x512xi32, #tpu.memory_space<vmem>>, %arg7: memref<26x2x512xf32, #tpu.memory_space<vmem>>, %arg8: memref<!tpu.dma_semaphore, #tpu.memory_space<semaphore_mem>>) attributes {dimension_semantics = [#tpu.dimension_semantics<core_parallel>, #tpu.dimension_semantics<subcore_parallel>], iteration_bounds = array<i64: 2, 16>, scalar_prefetch = 0 : i64, scratch_operands = 4 : i64, tpu.core_type = #tpu.core_type<sc_vector_subcore>, window_params = [{transform_indices = #map}, {transform_indices = #map1}, {transform_indices = #map2}]} {
    %mul3A = arith.constant 2 : i32
    %mul3A_0 = arith.muli %arg1, %mul3A : i32
    %add3A = arith.addi %mul3A_0, %arg0 : i32
    %mul3A_1 = arith.constant 512 : i32
    %mul3A_2 = arith.muli %add3A, %mul3A_1 : i32
    "tpu.region"() ({
      %run_scoped3A = tpu.sem_alloc : memref<!tpu.dma_semaphore, #tpu.memory_space<semaphore_mem>>
      %dma_start3A = arith.constant 0 : i32
      %dma_start3A_24 = tpu.memref_slice %arg2[%dma_start3A, %mul3A_2] : memref<26x16384xi32, #tpu.memory_space<hbm>> -> memref<26x512xi32, #tpu.memory_space<hbm>>
      %dma_start3A_25 = arith.constant 0 : i32
      %dma_start3A_26 = tpu.memref_slice %arg2[%dma_start3A_25, %mul3A_2] : memref<26x16384xi32, #tpu.memory_space<hbm>> -> memref<26x512xi32, #tpu.memory_space<hbm>>
      tpu.enqueue_dma source(%dma_start3A_26 : memref<26x512xi32, #tpu.memory_space<hbm>>) target(%arg5 : memref<26x512xi32, #tpu.memory_space<vmem>>) target_semaphore(%run_scoped3A : memref<!tpu.dma_semaphore, #tpu.memory_space<semaphore_mem>>)
      %dma_wait3A = arith.constant 0 : i32
      %dma_wait3A_27 = tpu.memref_slice %arg2[%dma_wait3A, %mul3A_2] : memref<26x16384xi32, #tpu.memory_space<hbm>> -> memref<26x512xi32, #tpu.memory_space<hbm>>
      %dma_wait3A_28 = arith.constant 0 : i32
      %dma_wait3A_29 = tpu.memref_slice %arg2[%dma_wait3A_28, %mul3A_2] : memref<26x16384xi32, #tpu.memory_space<hbm>> -> memref<26x512xi32, #tpu.memory_space<hbm>>
      tpu.wait_dma2 semaphore(%run_scoped3A : memref<!tpu.dma_semaphore, #tpu.memory_space<semaphore_mem>>) src(%dma_wait3A_29 : memref<26x512xi32, #tpu.memory_space<hbm>>) dst(%arg5 : memref<26x512xi32, #tpu.memory_space<vmem>>)
      tpu.yield
    }) : () -> ()
    %scan3A = arith.constant 0 : i32
    %scan3A_3 = arith.constant 0 : i32
    %scan3A_4 = arith.constant 104 : i32
    %scan3A_5 = arith.addi %scan3A_3, %scan3A_4 : i32
    %scan3A_6 = arith.constant 1 : i32
    %scan3A_7 = scf.for %scan3A_24 = %scan3A_3 to %scan3A_5 step %scan3A_6 iter_args(%scan3A_25 = %scan3A) -> (i32)  : i32 {
      %jit3A = arith.constant 4 : i32
      %div3A = arith.divsi %scan3A_24, %jit3A : i32
      %sign3A = arith.constant 0 : i32
      %sign3A_26 = arith.cmpi sgt, %scan3A_24, %sign3A : i32
      %sign3A_27 = arith.extui %sign3A_26 : i1 to i32
      %sign3A_28 = arith.constant 0 : i32
      %sign3A_29 = arith.cmpi slt, %scan3A_24, %sign3A_28 : i32
      %sign3A_30 = arith.extui %sign3A_29 : i1 to i32
      %sign3A_31 = arith.subi %sign3A_27, %sign3A_30 : i32
      %sign3A_32 = arith.constant 0 : i32
      %sign3A_33 = arith.cmpi sgt, %jit3A, %sign3A_32 : i32
      %sign3A_34 = arith.extui %sign3A_33 : i1 to i32
      %sign3A_35 = arith.constant 0 : i32
      %sign3A_36 = arith.cmpi slt, %jit3A, %sign3A_35 : i32
      %sign3A_37 = arith.extui %sign3A_36 : i1 to i32
      %sign3A_38 = arith.subi %sign3A_34, %sign3A_37 : i32
      %ne3A = arith.cmpi ne, %sign3A_31, %sign3A_38 : i32
      %rem3A = arith.remsi %scan3A_24, %jit3A : i32
      %ne3A_39 = arith.constant 0 : i32
      %ne3A_40 = arith.cmpi ne, %rem3A, %ne3A_39 : i32
      %and3A = arith.andi %ne3A, %ne3A_40 : i1
      %sub3A = arith.constant 1 : i32
      %sub3A_41 = arith.subi %div3A, %sub3A : i32
      %select_n3A = arith.select %and3A, %sub3A_41, %div3A : i32
      %jit3A_42 = arith.constant 4 : i32
      %eq3A = arith.constant 0 : i32
      %eq3A_43 = arith.cmpi eq, %jit3A_42, %eq3A : i32
      %jit3A_44 = arith.constant 1 : i32
      %select_n3A_45 = arith.select %eq3A_43, %jit3A_44, %jit3A_42 : i32
      %rem3A_46 = arith.remsi %scan3A_24, %select_n3A_45 : i32
      %ne3A_47 = arith.constant 0 : i32
      %ne3A_48 = arith.cmpi ne, %rem3A_46, %ne3A_47 : i32
      %lt3A = arith.constant 0 : i32
      %lt3A_49 = arith.cmpi slt, %rem3A_46, %lt3A : i32
      %lt3A_50 = arith.constant 0 : i32
      %lt3A_51 = arith.cmpi slt, %select_n3A_45, %lt3A_50 : i32
      %ne3A_52 = arith.xori %lt3A_49, %lt3A_51 : i1
      %and3A_53 = arith.andi %ne3A_52, %ne3A_48 : i1
      %add3A_54 = arith.addi %rem3A_46, %select_n3A_45 : i32
      %select_n3A_55 = arith.select %and3A_53, %add3A_54, %rem3A_46 : i32
      %mul3A_56 = arith.constant 128 : i32
      %mul3A_57 = arith.muli %select_n3A_55, %mul3A_56 : i32
      %mul3A_58 = arith.constant 128 : i32
      %mul3A_59 = arith.muli %select_n3A_55, %mul3A_58 : i32
      %dma_start3A = tpu.memref_slice %arg6[%select_n3A, %mul3A_59] : memref<26x512xi32, #tpu.memory_space<vmem>> -> memref<1x128xi32, #tpu.memory_space<vmem>>
      %dma_start3A_60 = tpu.memref_squeeze %dma_start3A : memref<1x128xi32, #tpu.memory_space<vmem>> -> memref<128xi32, #tpu.memory_space<vmem>>
      %dma_start3A_61 = tpu.memref_slice %arg5[%select_n3A, %mul3A_57] : memref<26x512xi32, #tpu.memory_space<vmem>> -> memref<1x128xi32, #tpu.memory_space<vmem>>
      %dma_start3A_62 = tpu.memref_squeeze %dma_start3A_61 : memref<1x128xi32, #tpu.memory_space<vmem>> -> memref<128xi32, #tpu.memory_space<vmem>>
      %dma_start3A_63 = arith.constant 0 : i32
      %dma_start3A_64 = tpu.memref_slice %arg3[%dma_start3A_63] : memref<1000000xi32, #tpu.memory_space<hbm>> -> memref<1000000xi32, #tpu.memory_space<hbm>>
      tpu.enqueue_indirect_dma source(%dma_start3A_64 : memref<1000000xi32, #tpu.memory_space<hbm>>) target(%dma_start3A_60 : memref<128xi32, #tpu.memory_space<vmem>>) offsets(%dma_start3A_62 : memref<128xi32, #tpu.memory_space<vmem>>) semaphore(%arg8 : memref<!tpu.dma_semaphore, #tpu.memory_space<semaphore_mem>>)
      %scan3A_65 = arith.constant 0 : i32
      scf.yield %scan3A_65 : i32
    }
    %scan3A_8 = arith.constant 104 : i32
    %scan3A_9 = arith.constant 0 : i32
    %scan3A_10 = arith.constant 0 : i32
    %scan3A_11 = arith.constant 104 : i32
    %scan3A_12 = arith.addi %scan3A_10, %scan3A_11 : i32
    %scan3A_13 = arith.constant 1 : i32
    %scan3A_14 = scf.for %scan3A_24 = %scan3A_10 to %scan3A_12 step %scan3A_13 iter_args(%scan3A_25 = %scan3A_9) -> (i32)  : i32 {
      %dma_wait3A = arith.constant 0 : i32
      %dma_wait3A_26 = arith.constant 0 : i32
      %dma_wait3A_27 = arith.constant 0 : i32
      %dma_wait3A_28 = tpu.memref_slice %arg6[%dma_wait3A_26, %dma_wait3A_27] : memref<26x512xi32, #tpu.memory_space<vmem>> -> memref<1x128xi32, #tpu.memory_space<vmem>>
      %dma_wait3A_29 = tpu.memref_squeeze %dma_wait3A_28 : memref<1x128xi32, #tpu.memory_space<vmem>> -> memref<128xi32, #tpu.memory_space<vmem>>
      %dma_wait3A_30 = arith.constant 0 : i32
      %dma_wait3A_31 = tpu.memref_slice %arg5[%dma_wait3A, %dma_wait3A_30] : memref<26x512xi32, #tpu.memory_space<vmem>> -> memref<1x128xi32, #tpu.memory_space<vmem>>
      %dma_wait3A_32 = tpu.memref_squeeze %dma_wait3A_31 : memref<1x128xi32, #tpu.memory_space<vmem>> -> memref<128xi32, #tpu.memory_space<vmem>>
      %dma_wait3A_33 = arith.constant 0 : i32
      %dma_wait3A_34 = tpu.memref_slice %arg3[%dma_wait3A_33] : memref<1000000xi32, #tpu.memory_space<hbm>> -> memref<1000000xi32, #tpu.memory_space<hbm>>
      tpu.wait_indirect_dma semaphore(%arg8 : memref<!tpu.dma_semaphore, #tpu.memory_space<semaphore_mem>>) src(%dma_wait3A_34 : memref<1000000xi32, #tpu.memory_space<hbm>>) dst(%dma_wait3A_29 : memref<128xi32, #tpu.memory_space<vmem>>)
      %scan3A_35 = arith.constant 0 : i32
      scf.yield %scan3A_35 : i32
    }
    %scan3A_15 = arith.constant 104 : i32
    %broadcast_in_dim3A = arith.constant -65536 : i32
    %broadcast_in_dim3A_16 = vector.broadcast %broadcast_in_dim3A : i32 to vector<16xi32>
    %scan3A_17 = arith.constant 0 : i32
    %scan3A_18 = arith.constant 0 : i32
    %scan3A_19 = arith.constant 832 : i32
    %scan3A_20 = arith.addi %scan3A_18, %scan3A_19 : i32
    %scan3A_21 = arith.constant 1 : i32
    %scan3A_22 = scf.for %scan3A_24 = %scan3A_18 to %scan3A_20 step %scan3A_21 iter_args(%scan3A_25 = %scan3A_17) -> (i32)  : i32 {
      %jit3A = arith.constant 32 : i32
      %div3A = arith.divsi %scan3A_24, %jit3A : i32
      %sign3A = arith.constant 0 : i32
      %sign3A_26 = arith.cmpi sgt, %scan3A_24, %sign3A : i32
      %sign3A_27 = arith.extui %sign3A_26 : i1 to i32
      %sign3A_28 = arith.constant 0 : i32
      %sign3A_29 = arith.cmpi slt, %scan3A_24, %sign3A_28 : i32
      %sign3A_30 = arith.extui %sign3A_29 : i1 to i32
      %sign3A_31 = arith.subi %sign3A_27, %sign3A_30 : i32
      %sign3A_32 = arith.constant 0 : i32
      %sign3A_33 = arith.cmpi sgt, %jit3A, %sign3A_32 : i32
      %sign3A_34 = arith.extui %sign3A_33 : i1 to i32
      %sign3A_35 = arith.constant 0 : i32
      %sign3A_36 = arith.cmpi slt, %jit3A, %sign3A_35 : i32
      %sign3A_37 = arith.extui %sign3A_36 : i1 to i32
      %sign3A_38 = arith.subi %sign3A_34, %sign3A_37 : i32
      %ne3A = arith.cmpi ne, %sign3A_31, %sign3A_38 : i32
      %rem3A = arith.remsi %scan3A_24, %jit3A : i32
      %ne3A_39 = arith.constant 0 : i32
      %ne3A_40 = arith.cmpi ne, %rem3A, %ne3A_39 : i32
      %and3A = arith.andi %ne3A, %ne3A_40 : i1
      %sub3A = arith.constant 1 : i32
      %sub3A_41 = arith.subi %div3A, %sub3A : i32
      %select_n3A = arith.select %and3A, %sub3A_41, %div3A : i32
      %jit3A_42 = arith.constant 32 : i32
      %eq3A = arith.constant 0 : i32
      %eq3A_43 = arith.cmpi eq, %jit3A_42, %eq3A : i32
      %jit3A_44 = arith.constant 1 : i32
      %select_n3A_45 = arith.select %eq3A_43, %jit3A_44, %jit3A_42 : i32
      %rem3A_46 = arith.remsi %scan3A_24, %select_n3A_45 : i32
      %ne3A_47 = arith.constant 0 : i32
      %ne3A_48 = arith.cmpi ne, %rem3A_46, %ne3A_47 : i32
      %lt3A = arith.constant 0 : i32
      %lt3A_49 = arith.cmpi slt, %rem3A_46, %lt3A : i32
      %lt3A_50 = arith.constant 0 : i32
      %lt3A_51 = arith.cmpi slt, %select_n3A_45, %lt3A_50 : i32
      %ne3A_52 = arith.xori %lt3A_49, %lt3A_51 : i1
      %and3A_53 = arith.andi %ne3A_52, %ne3A_48 : i1
      %add3A_54 = arith.addi %rem3A_46, %select_n3A_45 : i32
      %select_n3A_55 = arith.select %and3A_53, %add3A_54, %rem3A_46 : i32
      %mul3A_56 = arith.constant 16 : i32
      %mul3A_57 = arith.muli %select_n3A_55, %mul3A_56 : i32
      %get3A = arith.index_cast %select_n3A : i32 to index
      %get3A_58 = arith.index_cast %mul3A_57 : i32 to index
      %get3A_59 = tpu.vector_load %arg6[%get3A, %get3A_58] {strides = array<i32>} : memref<26x512xi32, #tpu.memory_space<vmem>>, vector<16xi32>,
      %shift_left3A = arith.constant 16 : i32
      %shift_left3A_60 = vector.broadcast %shift_left3A : i32 to vector<16xi32>
      %shift_left3A_61 = arith.shli %get3A_59, %shift_left3A_60 : vector<16xi32>
      %bitcast3A = vector.bitcast %shift_left3A_61 : vector<16xi32> to vector<16xf32>
      %swap3A = arith.constant 0 : i32
      %swap3A_62 = arith.index_cast %select_n3A : i32 to index
      %swap3A_63 = arith.index_cast %swap3A : i32 to index
      %swap3A_64 = arith.index_cast %mul3A_57 : i32 to index
      %swap3A_65 = tpu.vector_load %arg7[%swap3A_62, %swap3A_63, %swap3A_64] {strides = array<i32>} : memref<26x2x512xf32, #tpu.memory_space<vmem>>, vector<16xf32>,
      tpu.vector_store %arg7[%swap3A_62, %swap3A_63, %swap3A_64], %bitcast3A {strides = array<i32>} : memref<26x2x512xf32, #tpu.memory_space<vmem>>, vector<16xf32>,
      %and3A_66 = arith.andi %get3A_59, %broadcast_in_dim3A_16 : vector<16xi32>
      %bitcast3A_67 = vector.bitcast %and3A_66 : vector<16xi32> to vector<16xf32>
      %swap3A_68 = arith.constant 1 : i32
      %swap3A_69 = arith.index_cast %select_n3A : i32 to index
      %swap3A_70 = arith.index_cast %swap3A_68 : i32 to index
      %swap3A_71 = arith.index_cast %mul3A_57 : i32 to index
      %swap3A_72 = tpu.vector_load %arg7[%swap3A_69, %swap3A_70, %swap3A_71] {strides = array<i32>} : memref<26x2x512xf32, #tpu.memory_space<vmem>>, vector<16xf32>,
      tpu.vector_store %arg7[%swap3A_69, %swap3A_70, %swap3A_71], %bitcast3A_67 {strides = array<i32>} : memref<26x2x512xf32, #tpu.memory_space<vmem>>, vector<16xf32>,
      %scan3A_73 = arith.constant 0 : i32
      scf.yield %scan3A_73 : i32
    }
    %scan3A_23 = arith.constant 832 : i32
    "tpu.region"() ({
      %run_scoped3A = tpu.sem_alloc : memref<!tpu.dma_semaphore, #tpu.memory_space<semaphore_mem>>
      %dma_start3A = arith.constant 0 : i32
      %dma_start3A_24 = arith.constant 0 : i32
      %dma_start3A_25 = tpu.memref_slice %arg4[%dma_start3A, %dma_start3A_24, %mul3A_2] : memref<26x2x16384xf32, #tpu.memory_space<hbm>> -> memref<26x2x512xf32, #tpu.memory_space<hbm>>
      %dma_start3A_26 = arith.constant 0 : i32
      %dma_start3A_27 = arith.constant 0 : i32
      %dma_start3A_28 = tpu.memref_slice %arg4[%dma_start3A_26, %dma_start3A_27, %mul3A_2] : memref<26x2x16384xf32, #tpu.memory_space<hbm>> -> memref<26x2x512xf32, #tpu.memory_space<hbm>>
      tpu.enqueue_dma source(%arg7 : memref<26x2x512xf32, #tpu.memory_space<vmem>>) target(%dma_start3A_28 : memref<26x2x512xf32, #tpu.memory_space<hbm>>) target_semaphore(%run_scoped3A : memref<!tpu.dma_semaphore, #tpu.memory_space<semaphore_mem>>)
      %dma_wait3A = arith.constant 0 : i32
      %dma_wait3A_29 = arith.constant 0 : i32
      %dma_wait3A_30 = tpu.memref_slice %arg4[%dma_wait3A, %dma_wait3A_29, %mul3A_2] : memref<26x2x16384xf32, #tpu.memory_space<hbm>> -> memref<26x2x512xf32, #tpu.memory_space<hbm>>
      %dma_wait3A_31 = arith.constant 0 : i32
      %dma_wait3A_32 = arith.constant 0 : i32
      %dma_wait3A_33 = tpu.memref_slice %arg4[%dma_wait3A_31, %dma_wait3A_32, %mul3A_2] : memref<26x2x16384xf32, #tpu.memory_space<hbm>> -> memref<26x2x512xf32, #tpu.memory_space<hbm>>
      tpu.wait_dma2 semaphore(%run_scoped3A : memref<!tpu.dma_semaphore, #tpu.memory_space<semaphore_mem>>) src(%arg7 : memref<26x2x512xf32, #tpu.memory_space<vmem>>) dst(%dma_wait3A_33 : memref<26x2x512xf32, #tpu.memory_space<hbm>>)
      tpu.yield
    }) : () -> ()
    return
  }
}

module attributes {stable_mosaic.version = 14 : i64} {
  func.func @_project_body(%arg0: i32, %arg1: memref<64x32768xf32, #tpu.memory_space<vmem>>, %arg2: memref<2x64xbf16, #tpu.memory_space<vmem>>, %arg3: memref<2x1xf32, #tpu.memory_space<vmem>>, %arg4: memref<32768xi32, #tpu.memory_space<vmem>>) attributes {dimension_semantics = [#tpu.dimension_semantics<arbitrary>], iteration_bounds = array<i64: 31>, scalar_prefetch = 0 : i64, scratch_operands = 0 : i64, tpu.core_type = #tpu.core_type<tc>, window_params = [{transform_indices = @transform_0, window_bounds = array<i64: 64, 32768>}, {pipeline_mode = #tpu.pipeline_mode<synchronous>, transform_indices = @transform_1, window_bounds = array<i64: 2, 64>}, {pipeline_mode = #tpu.pipeline_mode<synchronous>, transform_indices = @transform_2, window_bounds = array<i64: 2, 1>}, {transform_indices = @transform_3, window_bounds = array<i64: 32768>}]} {
    %get3A = arith.constant 0 : index
    %get3A_0 = arith.constant 0 : index
    %get3A_1 = vector.load %arg1[%get3A, %get3A_0] : memref<64x32768xf32, #tpu.memory_space<vmem>>, vector<64x32768xf32>
    %convert_element_type3A = arith.truncf %get3A_1 : vector<64x32768xf32> to vector<64x32768xbf16>
    %get3A_2 = arith.constant 0 : index
    %get3A_3 = arith.constant 0 : index
    %get3A_4 = vector.load %arg2[%get3A_2, %get3A_3] : memref<2x64xbf16, #tpu.memory_space<vmem>>, vector<2x64xbf16>
    %dot_general3A = arith.constant dense<0.000000e+00> : vector<2x32768xf32>
    %dot_general3A_5 = tpu.matmul %get3A_4, %convert_element_type3A, %dot_general3A {dimension_numbers = #tpu.dot_dimension_numbers<[1], [0], [0], [1], [0, 0, 1, 1], [], []>, transpose_lhs_hint = false} : vector<2x64xbf16>, vector<64x32768xbf16>, vector<2x32768xf32> -> vector<2x32768xf32>
    %get3A_6 = arith.constant 0 : index
    %get3A_7 = arith.constant 0 : index
    %get3A_8 = vector.load %arg3[%get3A_6, %get3A_7] : memref<2x1xf32, #tpu.memory_space<vmem>>, vector<2x1xf32>
    %add3A = vector.broadcast %get3A_8 : vector<2x1xf32> to vector<2x32768xf32>
    %add3A_9 = arith.addf %dot_general3A_5, %add3A : vector<2x32768xf32>
    %tanh3A = math.tanh %add3A_9 : vector<2x32768xf32>
    %convert_element_type3A_10 = arith.truncf %tanh3A : vector<2x32768xf32> to vector<2x32768xbf16>
    %bitcast_convert_type3A = tpu.bitcast %convert_element_type3A_10 : vector<2x32768xbf16> -> vector<2x32768xi16>
    %convert_element_type3A_11 = arith.extui %bitcast_convert_type3A : vector<2x32768xi16> to vector<2x32768xi32>
    %slice3A = vector.extract_strided_slice %convert_element_type3A_11 {offsets = [0, 0], sizes = [1, 32768], strides = [1, 1]} : vector<2x32768xi32> to vector<1x32768xi32>
    %squeeze3A = vector.shape_cast %slice3A : vector<1x32768xi32> to vector<32768xi32>
    %slice3A_12 = vector.extract_strided_slice %convert_element_type3A_11 {offsets = [1, 0], sizes = [1, 32768], strides = [1, 1]} : vector<2x32768xi32> to vector<1x32768xi32>
    %squeeze3A_13 = vector.shape_cast %slice3A_12 : vector<1x32768xi32> to vector<32768xi32>
    %shift_left3A = arith.constant 16 : i32
    %shift_left3A_14 = vector.broadcast %shift_left3A : i32 to vector<32768xi32>
    %shift_left3A_15 = arith.shli %squeeze3A_13, %shift_left3A_14 : vector<32768xi32>
    %or3A = arith.ori %squeeze3A, %shift_left3A_15 : vector<32768xi32>
    %swap3A = arith.constant 0 : index
    %swap3A_16 = vector.load %arg4[%swap3A] : memref<32768xi32, #tpu.memory_space<vmem>>, vector<32768xi32>
    tpu.vector_store %arg4[%swap3A], %or3A {strides = array<i32>} : memref<32768xi32, #tpu.memory_space<vmem>>, vector<32768xi32>,
    return
  }
  func.func @transform_0(%arg0: i32) -> (i32, i32) {
    %c0_i32 = arith.constant 0 : i32
    %c0_i32_0 = arith.constant 0 : i32
    return %c0_i32, %arg0 : i32, i32
  }
  func.func @transform_1(%arg0: i32) -> (i32, i32) {
    %c0_i32 = arith.constant 0 : i32
    %c0_i32_0 = arith.constant 0 : i32
    %c0_i32_1 = arith.constant 0 : i32
    return %c0_i32, %c0_i32_0 : i32, i32
  }
  func.func @transform_2(%arg0: i32) -> (i32, i32) {
    %c0_i32 = arith.constant 0 : i32
    %c0_i32_0 = arith.constant 0 : i32
    %c0_i32_1 = arith.constant 0 : i32
    return %c0_i32, %c0_i32_0 : i32, i32
  }
  func.func @transform_3(%arg0: i32) -> i32 {
    %c0_i32 = arith.constant 0 : i32
    return %arg0 : i32
  }
}

</mosaic_0001>

<sc_bundles>
// kernel: kernel.4.cloned.1.call-start
scs
__scs_entry_jumppad:
0x0: {  	(pc) =	sbr.rel $0x88, $3  }
0x1: {  	(tag) =	ssettag $0x0;
	lr =	simm.s32 $0x1  }
0x2: {  	[smem:$0x3F9D] =	sst lr;
	_ =	strace $0xD0000000  }
0x3: {  	_ = 	snop  }
0x4: {  	_ = 	snop  }
0x5: {  	_ = 	snop  }
0x6: {  	_ = 	snop  }
0x7: {  	_ = 	snop  }
__scs_overlays_trampoline_lowered:
0x8: {  	[smem:$0x3FAC] =	sst s0  }
0x9: {  	[smem:$0x3FAD] =	sst s1  }
0xa: {  	[smem:$0x3FAE] =	sst s2  }
0xb: {  	[smem:$0x3FAF] =	sst s3  }
0xc: {  	[smem:$0x3FB0] =	sst s4  }
0xd: {  	[smem:$0x3FB1] =	sst s5  }
0xe: {  	[smem:$0x3FB2] =	sst s6  }
0xf: {  	[smem:$0x3FB3] =	sst s7  }
0x10: {  	[smem:$0x3FB4] =	sst s8  }
0x11: {  	[smem:$0x3FB5] =	sst s9;
	s0 =	simm.s32 @!p0 $0x0  }
0x12: {  	s1 =	sld [smem:$0x3F9B];
	s0 =	simm.s32 @p0 $0x1  }
0x13: {  	[smem:$0x3FB6] =	sst s0;
	s0 =	simm.s32 @!p1 $0x0  }
0x14: {  	s2 =	sld [smem:$0x3F9A];
	s0 =	simm.s32 @p1 $0x1  }
0x15: {  	[smem:$0x3FB7] =	sst s0;
	s0 =	simm.s32 @!p2 $0x0  }
0x16: {  	s3 =	sld [smem:$0x3FDB];
	s0 =	simm.s32 @p2 $0x1  }
0x17: {  	s4 =	simm.s32 $0x1BF5;
	[smem:$0x3FB9] =	sst s0  }
0x18: {  	s0 =	sld [smem:$0x3F9C];
	_ =	swait.ge [sflag:s4], $0x0  }
0x19: {  	s7 =	sld [smem:$0x3F9D]  }
0x1a: {  	s8 =	sadd.s32 $0xFFFFE003, lr  }
0x1b: {  	s9 =	sadd.s32 $0xFFFFFEF7, lr;
	s5 =	simm.s32 $0xFFFFFFFF;
	p2 =	slt.u32 s8, $0xFFFFF086  }
0x1c: {  	p1 =	slt.u32 s9, $0xF7A;
	s5 =	simm.s32 @!p2 $0x0  }
0x1d: {  	s5 =	simm.s32 @p1 $0x1;
	p0 =	seq.s32 s7, s2  }
0x1e: {  	s7 =	smul.u32 @!p0 $0xF7A, s2;
	p2 =	seq.s32 @!p0 s5, $0x0  }
0x1f: {  	s9 =	smul.u32 $0xF7A, s1;
	s8 =	simm.s32 @!p0 $0x1BF5;
	p2 =	por !p2, p0  }
0x20: {  	[sflag:s8] =	ssyncset.s32 @!p0 $0xFFFFF086;
	s6 =	sadd.s32 @!p0 s3, s7;
	s7 =	simm.s32 @!p0 $0x108  }
0x21: {  	s3 =	sadd.s32 s3, s9;
	s6 =	sadd.s32 @!p0 $0x88, s6;
	s7 =	simm.s32 @p2 $0x1082  }
0x22: {  	[simem:s7], [sflag:s8] =	dma.local @!p0 [hbm:s6], $0xF7A  }
0x23: {  	s9 =	sor.u32 $0xD0000000, s2;
	s6 =	simm.s32 $0x108;
	_ =	swait.ge @!p0 [sflag:s8], $0x0  }
0x24: {  	s3 =	sadd.s32 $0x88, s3;
	s6 =	simm.s32 @!p1 $0x1082;
	[sflag:s4] =	ssyncset.s32 $0xFFFFF086  }
0x25: {  	[simem:s6], [sflag:s4] =	dma.local [hbm:s3], $0xF7A  }
0x26: {  	[smem:$0x3F9D] =	sst s1;
	(tag) =	ssettag s2;
	_ =	strace s9  }
0x27: {  	s1 =	sld [smem:$0x3FAD]  }
0x28: {  	s2 =	sld [smem:$0x3FAE]  }
0x29: {  	s4 =	sld [smem:$0x3FB0]  }
0x2a: {  	p0 =	seq.s32 s5, $0x0;
	s5 =	sld [smem:$0x3FB1]  }
0x2b: {  	s6 =	sld [smem:$0x3FB2]  }
0x2c: {  	s7 =	sld [smem:$0x3FB3]  }
0x2d: {  	s3 =	simm.s32 $0x108;
	s8 =	sld [smem:$0x3FB4]  }
0x2e: {  	s3 =	simm.s32 @!p0 $0x1082;
	s9 =	sld [smem:$0x3FB5]  }
0x2f: {  	lr =	sadd.s32 s0, s3;
	s0 =	sld [smem:$0x3FAC]  }
0x30: {  	s3 =	sld [smem:$0x3FAF]  }
0x31: {  	[smem:$0x3FB8] =	sst s10  }
0x32: {  	s10 =	sld [smem:$0x3FB6];
	_ =	sdelay $0x3  }
0x33: {  	p0 =	seq.s32 s10, $0x1;
	s10 =	sld [smem:$0x3FB8];
	_ =	sdelay $0x3  }
0x34: {  	[smem:$0x3FB8] =	sst s10  }
0x35: {  	s10 =	sld [smem:$0x3FB7];
	_ =	sdelay $0x3  }
0x36: {  	p1 =	seq.s32 s10, $0x1;
	s10 =	sld [smem:$0x3FB8];
	_ =	sdelay $0x3  }
0x37: {  	[smem:$0x3FB8] =	sst s10  }
0x38: {  	s10 =	sld [smem:$0x3FB9]  }
0x39: {  	_ = 	snop;
	(pc) =	sbr.ind lr, $3  }
0x3a: {  	_ = 	snop  }
0x3b: {  	_ = 	snop  }
0x3c: {  	p2 =	seq.s32 s10, $0x1;
	s10 =	sld [smem:$0x3FB8]  }
0x3d: {  	_ =	shalt  }
0x3e: {  	_ =	shalt  }
0x3f: {  	_ =	shalt  }
0x40: {  	_ =	shalt  }
0x41: {  	_ =	shalt  }
0x42: {  	_ =	shalt  }
0x43: {  	_ =	shalt  }
0x44: {  	_ =	shalt  }
0x45: {  	_ =	shalt  }
0x46: {  	_ =	shalt  }
0x47: {  	_ =	shalt  }
0x48: {  	_ =	shalt  }
0x49: {  	_ =	shalt  }
0x4a: {  	_ =	shalt  }
0x4b: {  	_ =	shalt  }
0x4c: {  	_ =	shalt  }
0x4d: {  	_ =	shalt  }
0x4e: {  	_ =	shalt  }
0x4f: {  	_ =	shalt  }
0x50: {  	_ =	shalt  }
0x51: {  	_ =	shalt  }
0x52: {  	_ =	shalt  }
0x53: {  	_ =	shalt  }
0x54: {  	_ =	shalt  }
0x55: {  	_ =	shalt  }
0x56: {  	_ =	shalt  }
0x57: {  	_ =	shalt  }
0x58: {  	_ =	shalt  }
0x59: {  	_ =	shalt  }
0x5a: {  	_ =	shalt  }
0x5b: {  	_ =	shalt  }
0x5c: {  	_ =	shalt  }
0x5d: {  	_ =	shalt  }
0x5e: {  	_ =	shalt  }
0x5f: {  	_ =	shalt  }
0x60: {  	_ =	shalt  }
0x61: {  	_ =	shalt  }
0x62: {  	_ =	shalt  }
0x63: {  	_ =	shalt  }
0x64: {  	_ =	shalt  }
0x65: {  	_ =	shalt  }
0x66: {  	_ =	shalt  }
0x67: {  	_ =	shalt  }
0x68: {  	_ =	shalt  }
0x69: {  	_ =	shalt  }
0x6a: {  	_ =	shalt  }
0x6b: {  	_ =	shalt  }
0x6c: {  	_ =	shalt  }
0x6d: {  	_ =	shalt  }
0x6e: {  	_ =	shalt  }
0x6f: {  	_ =	shalt  }
0x70: {  	_ =	shalt  }
0x71: {  	_ =	shalt  }
0x72: {  	_ =	shalt  }
0x73: {  	_ =	shalt  }
0x74: {  	_ =	shalt  }
0x75: {  	_ =	shalt  }
0x76: {  	_ =	shalt  }
0x77: {  	_ =	shalt  }
0x78: {  	_ =	shalt  }
0x79: {  	_ =	shalt  }
0x7a: {  	_ =	shalt  }
0x7b: {  	_ =	shalt  }
0x7c: {  	_ =	shalt  }
0x7d: {  	_ =	shalt  }
0x7e: {  	_ =	shalt  }
0x7f: {  	_ =	shalt  }
0x80: {  	_ =	shalt  }
0x81: {  	_ =	shalt  }
0x82: {  	_ =	shalt  }
0x83: {  	_ =	shalt  }
0x84: {  	_ =	shalt  }
0x85: {  	_ =	shalt  }
0x86: {  	_ =	shalt  }
0x87: {  	_ =	shalt  }
.Lfunc_end0:
.L_simem_size_0:
called_computation_lowered:
.L_overlay_start_0:
0x88: {  	s2 =	sld [smem:$0x3FD9]  }
0x89: {  	s3 =	sld [smem:$0x3FFE];
	_ =	sdelay $0x1  }
0x8a: {  	s1 =	srdreg.scid  }
0x8b: {  	s0 =	sand.u32 $0x1, s1  }
0x8c: {  	s17 =	sshll.u32 s0, $0xA;
	s2 =	sadd.s32 s3, s2  }
0x8d: {  	s2 =	sadd.s32 s2, s17  }
0x8e: {  	[smem:$0x3FC4] =	sst s2  }
0x8f: {  	_ = 	snop  }
0x90: {  	s2 =	sld [smem:$0x3FD0];
	(tm) =	ssettm $0x1  }
0x91: {  	s18 =	sld [smem:$0x3FFB];
	_ =	sdelay $0x3  }
0x92: {  	_ =	strace s18  }
0x93: {  	s3 =	sld [smem:$0x3FFC];
	_ =	sdelay $0x3  }
0x94: {  	_ =	strace s3  }
0x95: {  	s3 =	sld [smem:$0x3FFD];
	_ =	sdelay $0x3  }
0x96: {  	_ =	strace s3  }
0x97: {  	_ =	strace $0x8FFFFFFF  }
0x98: {  	s19 =	sld [smem:$0x3FDB];
	_ =	sdelay $0x1  }
0x99: {  	s4 =	simm.s32 $_scs_section_size  }
0x9a: {  	s5 =	simm.s32 $_size__tile_overlayer_lowered;
	s6 =	simm.s32 $_tile_overlayer_lowered  }
0x9b: {  	s22 =	simm.s32 $0x1BFF;
	s21 =	sshll.u32 s6, $0x1;
	s3 =	sadd.s32 s4, s19  }
0x9c: {  	s7 =	simm.s32 $0x0;
	s20 =	sshll.u32 s5, $0x1;
	s5 =	sadd.s32 s21, s3  }
0x9d: {  	[timem:s7], [sflag:s22] =	dma.local [hbm:s5], s20  }
0x9e: {  	_ =	swait.ge [sflag:s22], s20  }
0x9f: {  	s4 =	ssub.s32 $0x0, s20;
	[sflag:s22] =	ssyncset.done $0x0  }
0xa0: {  	[sflag:s22] =	ssyncadd.s32 s4;
	_ =	sdelay $0x1  }
0xa1: {  	s23 =	simm.s32 $0x1B8B  }
0xa2: {  	_ =	swait.ge [sflag:s23], $0x1  }
0xa3: {  	[sflag:s23] =	ssyncset.done $0x0  }
0xa4: {  	s25 =	simm.s32 $0x1B8E;
	s24 =	sld [smem:$0x3FFE];
	[sflag:s23] =	ssyncadd.s32 $0xFFFFFFFF  }
0xa5: {  	s26 =	simm.s32 $execute0_lowered;
	[smem:$0x3FD2] =	sst s25  }
0xa6: {  	s5 =	sshll.u32 s26, $0x1;
	_ =	strace $0x80000046;
	[dreg:$0x1] =	wrdreg $0xFFFFFFFF  }
0xa7: {  	s28 =	simm.s32 $_size_execute0_lowered;
	s3 =	sadd.s32 s3, s5;
	[dreg:$0x0] =	wrdreg $0x0  }
0xa8: {  	s5 =	sshll.u32 s28, $0x1;
	[dreg:$0x2] =	wrdreg s3  }
0xa9: {  	[dreg:$0x3] =	wrdreg s5  }
0xaa: {  	[dreg:$0x4] =	wrdreg $0xC0  }
0xab: {  	_ =	task [dreg:s7], $0x5FFFF  }
0xac: {  	[dreg:$0x1] =	wrdreg $0xFFFFFFFF  }
0xad: {  	[dreg:$0x0] =	wrdreg $0x60  }
0xae: {  	[dreg:$0x2] =	wrdreg s2  }
0xaf: {  	[dreg:$0x3] =	wrdreg s24  }
0xb0: {  	[dreg:$0x4] =	wrdreg $0x9  }
0xb1: {  	_ =	task.clear_ibuf [dreg:s7], $0x5FFFF;
	_ =	strace $0x90000046  }
0xb2: {  	s29 =	simm.s32 $0x9;
	_ =	strace $0x80000048  }
0xb3: {  	_ =	swait.ge [sflag:s29], $0x1  }
0xb4: {  	[sflag:s29] =	ssyncadd.s32 $0xFFFFFFFF  }
0xb5: {  	_ =	strace $0x90000048  }
0xb6: {  	_ =	sfence  }
0xb7: {  	s30 =	sld [smem:$0x0];
	_ =	sdelay $0x2  }
0xb8: {  	s31 =	sshll.u32 s1, $0xD;
	s1 =	sshrl.u32 s1, $0x2  }
0xb9: {  	s3 =	sand.u32 $0x4000, s31;
	s1 =	sadd.s32 s1, s30  }
0xba: {  	s0 =	sor.u32 s3, s0;
	s1 =	sshll.u32 s1, $0x11  }
0xbb: {  	s0 =	sor.u32 s1, s0  }
0xbc: {  	s0 =	sadd.s32 $0x8F2B, s0  }
0xbd: {  	[sflag:s0] =	ssyncadd.remote.s32 $0x1  }
0xbe: {  	_ =	sfence.sel $0xFFFF  }
0xbf: {  	[dreg:$0x0] =	wrdreg $0xFFFFFFFF;
	(pc) =	sbr.abs _section_cstart, $3  }
0xc0: {  	[dreg:$0x1] =	wrdreg $0xFFFFFFFF  }
0xc1: {  	_ =	task.clear_ibuf [dreg:s7], $0x2FFFF;
	_ =	strace $0x9FFFFFFF  }
0xc2: {  	(tm) =	ssettm $0x7FFFFFFF  }
0xc3: {  	_ =	shalt  }
tec
execute0_lowered:
.L_overlay_start_1:
0x0: {  	(tag) =	ssettag $0x1  }
0x1: {  	s4 =	rddreg [dreg:$0x0]  }
0x2: {  	s5 =	rddreg [dreg:$0x1]  }
0x3: {  	s0 =	rddreg [dreg:$0x2]  }
0x4: {  	s2 =	simm.s32 $0x0;
	s3 =	srdreg.scid;
	s1 =	stileid.u32  }
0x5: {  	s9 =	simm.s32 $0x2;
	s10 =	simm.s32 $0x80;
	s11 =	simm.s32 $0x1  }
0x6: {  	s12 =	simm.s32 $0x6800;
	s13 =	simm.s32 $0x0;
	s3 =	sand.u32 $0x1, s3  }
0x7: {  	[smem:$0x7FF] =	sst s2;
	s6 =	sshll.u32 s1, $0x7;
	s7 =	sshll.u32 s3, $0x6  }
0x8: {  	_ =	strace $0x80000047;
	s8 =	ssub.s32 $0x2, s3;
	s6 =	sor.u32 s7, s6  }
0x9: {  	s3 =	sadd.s32 $0x600, s5;
	s31 =	sshrl.u32 s8, $0x1;
	s5 =	sadd.s32 s6, s5  }
0xa: {  	s7 =	ssub.s32 s8, s31;
	s4 =	sadd.s32 s4, s6;
	s8 =	simm.s32 $0x4000  }
0xb: {  	s5 =	sadd.s32 $0x1F000, s5;
	s6 =	smax.u32 s7, $0x1;
	s7 =	simm.s32 $0x200  }
.LBB2_1:
0xc: {  	[tilespmem:s2], [sflag:$0x2] =	stream.strided.gather [hbm4b:s4+s7], $0x3400, s8, s7, $0x38;
	[tilespmem:$0xD000] =	vst v63  }
0xd: {  	_ =	swait.ge [sflag:s9], $0x3400  }
0xe: {  	[sflag:s9] =	ssyncset.done $0x0  }
0xf: {  	s14 =	simm.s32 $0x0;
	[sflag:s9] =	ssyncadd.s32 $0xFFFFCC00  }
.LBB2_2:
0x10: {  	p0 =	sne.s32 s14, $0xCE00  }
.Ltmp0:
0x11: {  	_ = 	snop;
	(pc) =	sbr.rel @p0 .LBB2_2-.Ltmp0, $4  }
0x12: {  	_ = 	snop  }
0x13: {  	s15 =	sshra.s32 s14, $0x2  }
0x14: {  	s14 =	sadd.s32 $0x200, s14;
	s16 =	sadd.s32 $0x3400, s15  }
0x15: {  	[tilespmem:s16], [sflag:$0x1] =	stream.indirect.gather [hbm4b:s3+s10], $0x1, s15, s10, $0xb8;
	[tilespmem:$0xD000] =	vst v63  }
0x16: {  	s14 =	simm.s32 $0x68  }
.LBB2_4:
0x17: {  	p0 =	sne.s32 s14, $0x1  }
.Ltmp1:
0x18: {  	_ = 	snop;
	(pc) =	sbr.rel @p0 .LBB2_4-.Ltmp1, $4  }
0x19: {  	_ = 	snop  }
0x1a: {  	_ =	swait.ge [sflag:s11], $0x80  }
0x1b: {  	[sflag:s11] =	ssyncset.done $0x0  }
0x1c: {  	s14 =	sadd.s32 $0xFFFFFFFF, s14;
	[sflag:s11] =	ssyncadd.s32 $0xFFFFFF80  }
0x1d: {  	s14 =	simm.s32 $0x0;
	s15 =	simm.s32 $0x0  }
0x1e: {  	s17 =	sand.u32 $0x1F0, s14;
	s30 =	sand.u32 $0x3FFFFE00, s15  }
0x1f: {  	s14 =	sor.u32 s17, s30  }
0x20: {  	v0 =	vld [tilespmem:s14+$0x3400];
	_ =	sdelay $0x2  }
0x21: {  	s31 =	simm.s32 $0x0  }
0x22: {  	s18 =	simm.s32 $0x10;
	s16 =	simm.s32 $0x2;
	s19 =	sand.u32 $0x3FFFFC00, s31  }
0x23: {  	s15 =	simm.s32 $0x10;
	s17 =	sor.u32 s17, s19;
	s14 =	simm.s32 $0x1;
	v1 =	vshll.u32 v0, $0x10;
	v0 =	vand.u32 $0xFFFF0000, v0  }
.LBB2_6:
0x24: {  	p0 =	sne.s32 s16, $0x33F;
	s19 =	sand.u32 $0x1F0, s15;
	s18 =	sand.u32 $0x3FFFFE00, s18;
	[tilespmem:s17+$0x6800] =	vst v1  }
0x25: {  	s18 =	sor.u32 s19, s18;
	[tilespmem:s17+$0x6A00] =	vst v0  }
0x26: {  	v0 =	vld [tilespmem:s18+$0x3400]  }
.Ltmp2:
0x27: {  	(pc) =	sbr.rel @p0 .LBB2_6-.Ltmp2, $4  }
0x28: {  	_ = 	snop  }
0x29: {  	s17 =	sshll.u32 s14, $0x5;
	s14 =	smov.u32 s16  }
0x2a: {  	s15 =	sadd.s32 $0x10, s15;
	s17 =	sand.u32 $0x3FFFFC00, s17  }
0x2b: {  	s16 =	sadd.s32 $0x1, s16;
	s18 =	sshll.u32 s14, $0x4;
	s17 =	sor.u32 s19, s17;
	v1 =	vshll.u32 v0, $0x10;
	v0 =	vand.u32 $0xFFFF0000, v0  }
0x2c: {  	s15 =	sand.u32 $0x1F0, s15;
	s16 =	sand.u32 $0x3FFFFE00, s18;
	[tilespmem:s17+$0x6800] =	vst v1  }
0x2d: {  	[tilespmem:s17+$0x6A00] =	vst v0;
	s16 =	sor.u32 s15, s16  }
0x2e: {  	v0 =	vld [tilespmem:s16+$0x3400];
	_ =	sdelay $0x2  }
0x2f: {  	s14 =	sshll.u32 s14, $0x5  }
0x30: {  	s14 =	sand.u32 $0x3FFFFC00, s14  }
0x31: {  	s13 =	sadd.s32 $0x1, s13;
	s14 =	sor.u32 s15, s14;
	v63 =	vshll.u32 v0, $0x10  }
0x32: {  	p0 =	sne.s32 s13, s6;
	v0 =	vand.u32 $0xFFFF0000, v0;
	[tilespmem:s14+$0x6800] =	vst v63  }
.Ltmp3:
0x33: {  	[tilespmem:s14+$0x6A00] =	vst v0;
	(pc) =	sbr.rel @p0 .LBB2_1-.Ltmp3, $4  }
0x34: {  	[hbm4b:s5+s7] =	stream.strided.scatter [tilespmem:s12], [sflag:$0x2], $0x6800, s8, s7, $0x38;
	[tilespmem:$0xD000] =	vst v63  }
0x35: {  	_ =	swait.ge [sflag:s9], $0x6800  }
0x36: {  	[sflag:s9] =	ssyncset.done $0x0  }
0x37: {  	[sflag:s9] =	ssyncadd.s32 $0xFFFF9800  }
0x38: {  	_ =	sfence.sel $0x180000  }
0x39: {  	[bflag:$0x0] =	sbarrier.arrive $0xFFFF  }
0x3a: {  	p0 =	sne.s32 s1, $0x0;
	_ =	strace $0x90000047  }
0x3b: {  	s0 =	sadd.s32 @!p0 $0x100000, s0;
	[bflag:$0x2] =	sbarrier.arrive $0xFFFF  }
0x3c: {  	[sflag:s0] =	ssyncadd.tile.s32 @!p0 $0x1;
	_ =	shalt  }
.Lfunc_end2:
_tile_overlayer_lowered:
.L_overlay_start_2:
0x3d: {  	(tag) =	ssettag $0x2  }
0x3e: {  	s0 =	rddreg [dreg:$0x0];
	s2 =	stileid.u32  }
0x3f: {  	s1 =	rddreg [dreg:$0x1];
	p0 =	sne.s32 s2, $0x0  }
0x40: {  	s3 =	rddreg [dreg:$0x2];
	[bflag:$0x3] =	sbarrier.arrive $0xFFFF;
	s2 =	simm.s32 @!p0 $0x1C02  }
0x41: {  	[timem:s3], [sflag:s2] =	dma.local @!p0 [hbm:s0], s1  }
0x42: {  	s0 =	simm.s32 @!p0 $0x2  }
0x43: {  	_ =	swait.ge @!p0 [sflag:s0], s1  }
0x44: {  	s1 =	ssub.s32 @!p0 $0x0, s1;
	[sflag:s0] =	ssyncset.done @!p0 $0x0  }
0x45: {  	[sflag:s0] =	ssyncadd.s32 @!p0 s1  }
0x46: {  	[bflag:$0x3] =	sbarrier.arrive $0xFFFF  }
0x47: {  	_ =	shalt  }

</sc_bundles>
